<compile_context>
chip_gen: v7x
topology: tpu7x:2x2x1
jax: 0.10.2.dev20260603
libtpu: 0.0.44.dev20260713+nightly
codegen_flags: <defaults>
</compile_context>

<pallas_src>
import functools

import jax
import jax.numpy as jnp
from jax import lax
from jax.experimental import pallas as pl
from jax.experimental.pallas import tpu as pltpu
from jax.experimental.pallas import tpu_sc as plsc

BINS = 10
EPS = 1e-12
DELTA = 1.0 / BINS
N = 4096
NC = 2
NS = 16
L = 16
NW = NC * NS

NSC = 1024
NTC = N - NSC
CHUNK = NSC // NW
IV = CHUNK // L
UR = 4
BI = 512


def _log1p_exp_neg(ax):
    t = jnp.exp(-ax)
    u = t / (2.0 + t)
    u2 = u * u
    s = jnp.float32(1.0 / 13.0)
    for c in (1.0 / 11.0, 1.0 / 9.0, 1.0 / 7.0, 1.0 / 5.0, 1.0 / 3.0, 1.0):
        s = s * u2 + jnp.float32(c)
    return 2.0 * u * s


_mesh = plsc.VectorSubcoreMesh(
    core_axis_name="c", subcore_axis_name="s", num_cores=NC, num_subcores=NS)


@functools.partial(
    pl.kernel,
    out_type=jax.ShapeDtypeStruct((NW, L), jnp.float32),
    mesh=_mesh,
    scratch_types=[
        pltpu.VMEM((N,), jnp.float32),
        pltpu.VMEM((N,), jnp.float32),
        pltpu.VMEM((N + L,), jnp.float32),
        pltpu.VMEM((L,), jnp.float32),
    ],
)
def _sc_kernel(x_hbm, z_hbm, out_hbm, x_v, z_v, g_v, p_v):
    wid = lax.axis_index("s") * NC + lax.axis_index("c")
    pltpu.sync_copy(x_hbm, x_v)
    pltpu.sync_copy(z_hbm, z_v)

    def g_body(k, carry):
        x = x_v[pl.ds(k * L, L)]
        z = z_v[pl.ds(k * L, L)]
        pred = 1.0 / (1.0 + jnp.exp(-x))
        g_v[pl.ds(k * L, L)] = jnp.abs(pred - z)
        return carry

    lax.fori_loop(0, N // L, g_body, 0)
    g_v[pl.ds(N, L)] = g_v[pl.ds(0, L)]

    base = NTC + wid * CHUNK
    gi = [g_v[pl.ds(base + b * L, L)] for b in range(IV)]

    def j_body(t, accs):
        accs = list(accs)
        for r in range(UR):
            gw = g_v[pl.ds(t * UR + r, L)]
            for b in range(IV):
                m = jnp.abs(gw - gi[b]) <= DELTA
                accs[b] = accs[b] + jnp.where(m, 1.0, 0.0)
        return tuple(accs)

    zero = jnp.zeros((L,), jnp.float32)
    accs = lax.fori_loop(0, N // UR, j_body, tuple(zero for _ in range(IV)))

    psum = jnp.zeros((L,), jnp.float32)
    for b in range(IV):
        gd = accs[b] / DELTA
        beta = N / (gd + EPS)
        x = x_v[pl.ds(base + b * L, L)]
        z = z_v[pl.ds(base + b * L, L)]
        loss = jnp.maximum(x, 0.0) - x * z + _log1p_exp_neg(jnp.abs(x))
        psum = psum + beta * loss
    p_v[...] = psum
    pltpu.sync_copy(p_v, out_hbm.at[wid])


def _tc_body(xcb_ref, zcb_ref, xr_ref, zr_ref, out_ref):
    xc = xcb_ref[...].reshape(BI, 1)
    zc = zcb_ref[...].reshape(BI, 1)
    xr = xr_ref[...]
    zr = zr_ref[...]
    gc = jnp.abs(jax.nn.sigmoid(xc) - zc)
    gr = jnp.abs(jax.nn.sigmoid(xr) - zr)
    close = (jnp.abs(gc - gr) <= DELTA).astype(jnp.float32)
    cnt = jnp.sum(close, axis=1, keepdims=True)
    gd = cnt / DELTA
    beta = N / (gd + EPS)
    loss = jnp.maximum(xc, 0.0) - xc * zc + jnp.log1p(jnp.exp(-jnp.abs(xc)))

    @pl.when(pl.program_id(0) == 0)
    def _():
        out_ref[...] = jnp.zeros((1, 1, 1), jnp.float32)

    out_ref[...] += jnp.sum(beta * loss).reshape(1, 1, 1)


def kernel(logits, targets):
    sc_partials = _sc_kernel(logits, targets)

    xr = logits.reshape(1, N)
    zr = targets.reshape(1, N)
    tc_partials = pl.pallas_call(
        _tc_body,
        grid=(NTC // BI,),
        in_specs=[
            pl.BlockSpec((1, BI), lambda i: (0, i)),
            pl.BlockSpec((1, BI), lambda i: (0, i)),
            pl.BlockSpec((1, N), lambda i: (0, 0)),
            pl.BlockSpec((1, N), lambda i: (0, 0)),
        ],
        out_specs=pl.BlockSpec((1, 1, 1), lambda i: (0, 0, 0)),
        out_shape=jax.ShapeDtypeStruct((1, 1, 1), jnp.float32),
    )(xr, zr, xr, zr)
    return (jnp.sum(sc_partials) + tc_partials[0, 0, 0]) / N

# --- scband reference (transcript-rebuilt; emitter-appended) ---
"""Pipeline reference for scband-ghmbce-6545530159211 (READ-ONLY COPY).

The authoritative reference and input builder live on the scoring server;
editing this copy changes nothing except your own understanding.
"""

import jax, jax.numpy as jnp
import numpy as np

BINS = 10
EPS = 1e-12
DELTA = 1.0 / BINS


def setup_inputs(seed: int = 0) -> dict:
    key = jax.random.key(seed)
    k1, k2 = jax.random.split(key)
    logits = jax.random.normal(k1, (4096,), dtype=jnp.float32)
    targets = jax.random.uniform(k2, (4096,), dtype=jnp.float32)
    return {"logits": logits, "targets": targets}


def _bce_with_logits(x, z):
    # numerically stable binary_cross_entropy_with_logits (reduction='none')
    return jnp.maximum(x, 0.0) - x * z + jnp.log1p(jnp.exp(-jnp.abs(x)))


def reference(logits, targets):
    # --- no_grad block in torch: computed with stop_gradient ---
    pred = jax.nn.sigmoid(logits)
    g = jnp.abs(pred - targets)
    g = jax.lax.stop_gradient(g)
    n = logits.size
    # GD[i] = count of j with |g_j - g_i| <= delta, divided by delta
    # (vectorized form of the original per-element loop)
    close = (jnp.abs(g[:, None] - g[None, :]) <= DELTA).astype(jnp.float32)
    GD = jnp.sum(close, axis=1) / DELTA
    beta = jax.lax.stop_gradient(n / (GD + EPS))
    # --- differentiable part ---
    loss = _bce_with_logits(logits, targets)
    return (beta * loss).mean()

if __name__ == "__main__":
    import jax
    _d = setup_inputs()
    print(jax.jit(kernel)(*tuple(_d.values())))

</pallas_src>

<mosaic_0001>
#map = affine_map<(d0, d1) -> (0)>
#map1 = affine_map<(d0, d1) -> (0, 0)>
module attributes {stable_mosaic.version = 14 : i64} {
  func.func @_sc_kernel(%arg0: i32, %arg1: i32, %arg2: memref<4096xf32, #tpu.memory_space<hbm>>, %arg3: memref<4096xf32, #tpu.memory_space<hbm>>, %arg4: memref<32x16xf32, #tpu.memory_space<hbm>>, %arg5: memref<4096xf32, #tpu.memory_space<vmem>>, %arg6: memref<4096xf32, #tpu.memory_space<vmem>>, %arg7: memref<4112xf32, #tpu.memory_space<vmem>>, %arg8: memref<16xf32, #tpu.memory_space<vmem>>) attributes {dimension_semantics = [#tpu.dimension_semantics<core_parallel>, #tpu.dimension_semantics<subcore_parallel>], iteration_bounds = array<i64: 2, 16>, scalar_prefetch = 0 : i64, scratch_operands = 4 : i64, tpu.core_type = #tpu.core_type<sc_vector_subcore>, window_params = [{transform_indices = #map}, {transform_indices = #map}, {transform_indices = #map1}]} {
    %mul3A = arith.constant 2 : i32
    %mul3A_0 = arith.muli %arg1, %mul3A : i32
    %add3A = arith.addi %mul3A_0, %arg0 : i32
    "tpu.region"() ({
      %run_scoped3A = tpu.sem_alloc : memref<!tpu.dma_semaphore, #tpu.memory_space<semaphore_mem>>
      tpu.enqueue_dma source(%arg2 : memref<4096xf32, #tpu.memory_space<hbm>>) target(%arg5 : memref<4096xf32, #tpu.memory_space<vmem>>) target_semaphore(%run_scoped3A : memref<!tpu.dma_semaphore, #tpu.memory_space<semaphore_mem>>)
      tpu.wait_dma2 semaphore(%run_scoped3A : memref<!tpu.dma_semaphore, #tpu.memory_space<semaphore_mem>>) src(%arg2 : memref<4096xf32, #tpu.memory_space<hbm>>) dst(%arg5 : memref<4096xf32, #tpu.memory_space<vmem>>)
      tpu.yield
    }) : () -> ()
    "tpu.region"() ({
      %run_scoped3A = tpu.sem_alloc : memref<!tpu.dma_semaphore, #tpu.memory_space<semaphore_mem>>
      tpu.enqueue_dma source(%arg3 : memref<4096xf32, #tpu.memory_space<hbm>>) target(%arg6 : memref<4096xf32, #tpu.memory_space<vmem>>) target_semaphore(%run_scoped3A : memref<!tpu.dma_semaphore, #tpu.memory_space<semaphore_mem>>)
      tpu.wait_dma2 semaphore(%run_scoped3A : memref<!tpu.dma_semaphore, #tpu.memory_space<semaphore_mem>>) src(%arg3 : memref<4096xf32, #tpu.memory_space<hbm>>) dst(%arg6 : memref<4096xf32, #tpu.memory_space<vmem>>)
      tpu.yield
    }) : () -> ()
    %scan3A = arith.constant 0 : i32
    %scan3A_1 = arith.constant 0 : i32
    %scan3A_2 = arith.constant 256 : i32
    %scan3A_3 = arith.addi %scan3A_1, %scan3A_2 : i32
    %scan3A_4 = arith.constant 1 : i32
    scf.for %scan3A_166 = %scan3A_1 to %scan3A_3 step %scan3A_4  : i32 {
      %mul3A_167 = arith.constant 16 : i32
      %mul3A_168 = arith.muli %scan3A_166, %mul3A_167 : i32
      %get3A_169 = arith.index_cast %mul3A_168 : i32 to index
      %get3A_170 = tpu.vector_load %arg5[%get3A_169] {strides = array<i32>} : memref<4096xf32, #tpu.memory_space<vmem>>, vector<16xf32>,
      %get3A_171 = vector.shape_cast %get3A_170 : vector<16xf32> to vector<16xf32>
      %mul3A_172 = arith.constant 16 : i32
      %mul3A_173 = arith.muli %scan3A_166, %mul3A_172 : i32
      %get3A_174 = arith.index_cast %mul3A_173 : i32 to index
      %get3A_175 = tpu.vector_load %arg6[%get3A_174] {strides = array<i32>} : memref<4096xf32, #tpu.memory_space<vmem>>, vector<16xf32>,
      %get3A_176 = vector.shape_cast %get3A_175 : vector<16xf32> to vector<16xf32>
      %neg3A_177 = arith.constant 0.000000e+00 : f32
      %neg3A_178 = vector.broadcast %neg3A_177 : f32 to vector<16xf32>
      %neg3A_179 = arith.subf %neg3A_178, %get3A_171 : vector<16xf32>
      %exp3A_180 = math.exp %neg3A_179 : vector<16xf32>
      %add3A_181 = arith.constant 1.000000e+00 : f32
      %add3A_182 = vector.broadcast %add3A_181 : f32 to vector<16xf32>
      %add3A_183 = arith.addf %add3A_182, %exp3A_180 : vector<16xf32>
      %div3A_184 = arith.constant 1.000000e+00 : f32
      %div3A_185 = vector.broadcast %div3A_184 : f32 to vector<16xf32>
      %div3A_186 = arith.divf %div3A_185, %add3A_183 : vector<16xf32>
      %sub3A_187 = arith.subf %div3A_186, %get3A_176 : vector<16xf32>
      %abs3A_188 = math.absf %sub3A_187 : vector<16xf32>
      %mul3A_189 = arith.constant 16 : i32
      %mul3A_190 = arith.muli %scan3A_166, %mul3A_189 : i32
      %swap3A_191 = arith.index_cast %mul3A_190 : i32 to index
      %swap3A_192 = tpu.vector_load %arg7[%swap3A_191] {strides = array<i32>} : memref<4112xf32, #tpu.memory_space<vmem>>, vector<16xf32>,
      %swap3A_193 = vector.shape_cast %swap3A_192 : vector<16xf32> to vector<16xf32>
      %swap3A_194 = vector.shape_cast %abs3A_188 : vector<16xf32> to vector<16xf32>
      tpu.vector_store %arg7[%swap3A_191], %swap3A_194 {strides = array<i32>} : memref<4112xf32, #tpu.memory_space<vmem>>, vector<16xf32>,
    }
    %scan3A_5 = arith.constant 256 : i32
    %get3A = arith.constant 0 : index
    %get3A_6 = tpu.vector_load %arg7[%get3A] {strides = array<i32>} : memref<4112xf32, #tpu.memory_space<vmem>>, vector<16xf32>,
    %get3A_7 = vector.shape_cast %get3A_6 : vector<16xf32> to vector<16xf32>
    %swap3A = arith.constant 4096 : index
    %swap3A_8 = tpu.vector_load %arg7[%swap3A] {strides = array<i32>} : memref<4112xf32, #tpu.memory_space<vmem>>, vector<16xf32>,
    %swap3A_9 = vector.shape_cast %swap3A_8 : vector<16xf32> to vector<16xf32>
    %swap3A_10 = vector.shape_cast %get3A_7 : vector<16xf32> to vector<16xf32>
    tpu.vector_store %arg7[%swap3A], %swap3A_10 {strides = array<i32>} : memref<4112xf32, #tpu.memory_space<vmem>>, vector<16xf32>,
    %mul3A_11 = arith.constant 32 : i32
    %mul3A_12 = arith.muli %add3A, %mul3A_11 : i32
    %add3A_13 = arith.constant 3072 : i32
    %add3A_14 = arith.addi %add3A_13, %mul3A_12 : i32
    %add3A_15 = arith.constant 0 : i32
    %add3A_16 = arith.addi %add3A_14, %add3A_15 : i32
    %get3A_17 = arith.index_cast %add3A_16 : i32 to index
    %get3A_18 = tpu.vector_load %arg7[%get3A_17] {strides = array<i32>} : memref<4112xf32, #tpu.memory_space<vmem>>, vector<16xf32>,
    %get3A_19 = vector.shape_cast %get3A_18 : vector<16xf32> to vector<16xf32>
    %add3A_20 = arith.constant 16 : i32
    %add3A_21 = arith.addi %add3A_14, %add3A_20 : i32
    %get3A_22 = arith.index_cast %add3A_21 : i32 to index
    %get3A_23 = tpu.vector_load %arg7[%get3A_22] {strides = array<i32>} : memref<4112xf32, #tpu.memory_space<vmem>>, vector<16xf32>,
    %get3A_24 = vector.shape_cast %get3A_23 : vector<16xf32> to vector<16xf32>
    %broadcast_in_dim3A = arith.constant 0.000000e+00 : f32
    %broadcast_in_dim3A_25 = vector.broadcast %broadcast_in_dim3A : f32 to vector<16xf32>
    %scan3A_26 = arith.constant 0 : i32
    %scan3A_27 = arith.constant 1024 : i32
    %scan3A_28 = arith.addi %scan3A_26, %scan3A_27 : i32
    %scan3A_29 = arith.constant 1 : i32
    %scan3A_30:2 = scf.for %scan3A_166 = %scan3A_26 to %scan3A_28 step %scan3A_29 iter_args(%scan3A_167 = %broadcast_in_dim3A_25, %scan3A_168 = %broadcast_in_dim3A_25) -> (vector<16xf32>, vector<16xf32>)  : i32 {
      %mul3A_169 = arith.constant 4 : i32
      %mul3A_170 = arith.muli %scan3A_166, %mul3A_169 : i32
      %add3A_171 = arith.constant 0 : i32
      %add3A_172 = arith.addi %mul3A_170, %add3A_171 : i32
      %get3A_173 = arith.index_cast %add3A_172 : i32 to index
      %get3A_174 = tpu.vector_load %arg7[%get3A_173] {strides = array<i32>} : memref<4112xf32, #tpu.memory_space<vmem>>, vector<16xf32>,
      %get3A_175 = vector.shape_cast %get3A_174 : vector<16xf32> to vector<16xf32>
      %sub3A_176 = arith.subf %get3A_175, %get3A_19 : vector<16xf32>
      %abs3A_177 = math.absf %sub3A_176 : vector<16xf32>
      %le3A = arith.constant 1.000000e-01 : f32
      %le3A_178 = vector.broadcast %le3A : f32 to vector<16xf32>
      %le3A_179 = arith.cmpf ole, %abs3A_177, %le3A_178 : vector<16xf32>
      %jit3A = arith.constant 1.000000e+00 : f32
      %jit3A_180 = arith.constant 0.000000e+00 : f32
      %broadcast_in_dim3A_181 = vector.broadcast %jit3A : f32 to vector<16xf32>
      %broadcast_in_dim3A_182 = vector.broadcast %jit3A_180 : f32 to vector<16xf32>
      %select_n3A = arith.select %le3A_179, %broadcast_in_dim3A_181, %broadcast_in_dim3A_182 : vector<16xi1>, vector<16xf32>
      %add3A_183 = arith.addf %scan3A_167, %select_n3A : vector<16xf32>
      %sub3A_184 = arith.subf %get3A_175, %get3A_24 : vector<16xf32>
      %abs3A_185 = math.absf %sub3A_184 : vector<16xf32>
      %le3A_186 = arith.constant 1.000000e-01 : f32
      %le3A_187 = vector.broadcast %le3A_186 : f32 to vector<16xf32>
      %le3A_188 = arith.cmpf ole, %abs3A_185, %le3A_187 : vector<16xf32>
      %jit3A_189 = arith.constant 1.000000e+00 : f32
      %jit3A_190 = arith.constant 0.000000e+00 : f32
      %broadcast_in_dim3A_191 = vector.broadcast %jit3A_189 : f32 to vector<16xf32>
      %broadcast_in_dim3A_192 = vector.broadcast %jit3A_190 : f32 to vector<16xf32>
      %select_n3A_193 = arith.select %le3A_188, %broadcast_in_dim3A_191, %broadcast_in_dim3A_192 : vector<16xi1>, vector<16xf32>
      %add3A_194 = arith.addf %scan3A_168, %select_n3A_193 : vector<16xf32>
      %mul3A_195 = arith.constant 4 : i32
      %mul3A_196 = arith.muli %scan3A_166, %mul3A_195 : i32
      %add3A_197 = arith.constant 1 : i32
      %add3A_198 = arith.addi %mul3A_196, %add3A_197 : i32
      %get3A_199 = arith.index_cast %add3A_198 : i32 to index
      %get3A_200 = tpu.vector_load %arg7[%get3A_199] {strides = array<i32>} : memref<4112xf32, #tpu.memory_space<vmem>>, vector<16xf32>,
      %get3A_201 = vector.shape_cast %get3A_200 : vector<16xf32> to vector<16xf32>
      %sub3A_202 = arith.subf %get3A_201, %get3A_19 : vector<16xf32>
      %abs3A_203 = math.absf %sub3A_202 : vector<16xf32>
      %le3A_204 = arith.constant 1.000000e-01 : f32
      %le3A_205 = vector.broadcast %le3A_204 : f32 to vector<16xf32>
      %le3A_206 = arith.cmpf ole, %abs3A_203, %le3A_205 : vector<16xf32>
      %jit3A_207 = arith.constant 1.000000e+00 : f32
      %jit3A_208 = arith.constant 0.000000e+00 : f32
      %broadcast_in_dim3A_209 = vector.broadcast %jit3A_207 : f32 to vector<16xf32>
      %broadcast_in_dim3A_210 = vector.broadcast %jit3A_208 : f32 to vector<16xf32>
      %select_n3A_211 = arith.select %le3A_206, %broadcast_in_dim3A_209, %broadcast_in_dim3A_210 : vector<16xi1>, vector<16xf32>
      %add3A_212 = arith.addf %add3A_183, %select_n3A_211 : vector<16xf32>
      %sub3A_213 = arith.subf %get3A_201, %get3A_24 : vector<16xf32>
      %abs3A_214 = math.absf %sub3A_213 : vector<16xf32>
      %le3A_215 = arith.constant 1.000000e-01 : f32
      %le3A_216 = vector.broadcast %le3A_215 : f32 to vector<16xf32>
      %le3A_217 = arith.cmpf ole, %abs3A_214, %le3A_216 : vector<16xf32>
      %jit3A_218 = arith.constant 1.000000e+00 : f32
      %jit3A_219 = arith.constant 0.000000e+00 : f32
      %broadcast_in_dim3A_220 = vector.broadcast %jit3A_218 : f32 to vector<16xf32>
      %broadcast_in_dim3A_221 = vector.broadcast %jit3A_219 : f32 to vector<16xf32>
      %select_n3A_222 = arith.select %le3A_217, %broadcast_in_dim3A_220, %broadcast_in_dim3A_221 : vector<16xi1>, vector<16xf32>
      %add3A_223 = arith.addf %add3A_194, %select_n3A_222 : vector<16xf32>
      %mul3A_224 = arith.constant 4 : i32
      %mul3A_225 = arith.muli %scan3A_166, %mul3A_224 : i32
      %add3A_226 = arith.constant 2 : i32
      %add3A_227 = arith.addi %mul3A_225, %add3A_226 : i32
      %get3A_228 = arith.index_cast %add3A_227 : i32 to index
      %get3A_229 = tpu.vector_load %arg7[%get3A_228] {strides = array<i32>} : memref<4112xf32, #tpu.memory_space<vmem>>, vector<16xf32>,
      %get3A_230 = vector.shape_cast %get3A_229 : vector<16xf32> to vector<16xf32>
      %sub3A_231 = arith.subf %get3A_230, %get3A_19 : vector<16xf32>
      %abs3A_232 = math.absf %sub3A_231 : vector<16xf32>
      %le3A_233 = arith.constant 1.000000e-01 : f32
      %le3A_234 = vector.broadcast %le3A_233 : f32 to vector<16xf32>
      %le3A_235 = arith.cmpf ole, %abs3A_232, %le3A_234 : vector<16xf32>
      %jit3A_236 = arith.constant 1.000000e+00 : f32
      %jit3A_237 = arith.constant 0.000000e+00 : f32
      %broadcast_in_dim3A_238 = vector.broadcast %jit3A_236 : f32 to vector<16xf32>
      %broadcast_in_dim3A_239 = vector.broadcast %jit3A_237 : f32 to vector<16xf32>
      %select_n3A_240 = arith.select %le3A_235, %broadcast_in_dim3A_238, %broadcast_in_dim3A_239 : vector<16xi1>, vector<16xf32>
      %add3A_241 = arith.addf %add3A_212, %select_n3A_240 : vector<16xf32>
      %sub3A_242 = arith.subf %get3A_230, %get3A_24 : vector<16xf32>
      %abs3A_243 = math.absf %sub3A_242 : vector<16xf32>
      %le3A_244 = arith.constant 1.000000e-01 : f32
      %le3A_245 = vector.broadcast %le3A_244 : f32 to vector<16xf32>
      %le3A_246 = arith.cmpf ole, %abs3A_243, %le3A_245 : vector<16xf32>
      %jit3A_247 = arith.constant 1.000000e+00 : f32
      %jit3A_248 = arith.constant 0.000000e+00 : f32
      %broadcast_in_dim3A_249 = vector.broadcast %jit3A_247 : f32 to vector<16xf32>
      %broadcast_in_dim3A_250 = vector.broadcast %jit3A_248 : f32 to vector<16xf32>
      %select_n3A_251 = arith.select %le3A_246, %broadcast_in_dim3A_249, %broadcast_in_dim3A_250 : vector<16xi1>, vector<16xf32>
      %add3A_252 = arith.addf %add3A_223, %select_n3A_251 : vector<16xf32>
      %mul3A_253 = arith.constant 4 : i32
      %mul3A_254 = arith.muli %scan3A_166, %mul3A_253 : i32
      %add3A_255 = arith.constant 3 : i32
      %add3A_256 = arith.addi %mul3A_254, %add3A_255 : i32
      %get3A_257 = arith.index_cast %add3A_256 : i32 to index
      %get3A_258 = tpu.vector_load %arg7[%get3A_257] {strides = array<i32>} : memref<4112xf32, #tpu.memory_space<vmem>>, vector<16xf32>,
      %get3A_259 = vector.shape_cast %get3A_258 : vector<16xf32> to vector<16xf32>
      %sub3A_260 = arith.subf %get3A_259, %get3A_19 : vector<16xf32>
      %abs3A_261 = math.absf %sub3A_260 : vector<16xf32>
      %le3A_262 = arith.constant 1.000000e-01 : f32
      %le3A_263 = vector.broadcast %le3A_262 : f32 to vector<16xf32>
      %le3A_264 = arith.cmpf ole, %abs3A_261, %le3A_263 : vector<16xf32>
      %jit3A_265 = arith.constant 1.000000e+00 : f32
      %jit3A_266 = arith.constant 0.000000e+00 : f32
      %broadcast_in_dim3A_267 = vector.broadcast %jit3A_265 : f32 to vector<16xf32>
      %broadcast_in_dim3A_268 = vector.broadcast %jit3A_266 : f32 to vector<16xf32>
      %select_n3A_269 = arith.select %le3A_264, %broadcast_in_dim3A_267, %broadcast_in_dim3A_268 : vector<16xi1>, vector<16xf32>
      %add3A_270 = arith.addf %add3A_241, %select_n3A_269 : vector<16xf32>
      %sub3A_271 = arith.subf %get3A_259, %get3A_24 : vector<16xf32>
      %abs3A_272 = math.absf %sub3A_271 : vector<16xf32>
      %le3A_273 = arith.constant 1.000000e-01 : f32
      %le3A_274 = vector.broadcast %le3A_273 : f32 to vector<16xf32>
      %le3A_275 = arith.cmpf ole, %abs3A_272, %le3A_274 : vector<16xf32>
      %jit3A_276 = arith.constant 1.000000e+00 : f32
      %jit3A_277 = arith.constant 0.000000e+00 : f32
      %broadcast_in_dim3A_278 = vector.broadcast %jit3A_276 : f32 to vector<16xf32>
      %broadcast_in_dim3A_279 = vector.broadcast %jit3A_277 : f32 to vector<16xf32>
      %select_n3A_280 = arith.select %le3A_275, %broadcast_in_dim3A_278, %broadcast_in_dim3A_279 : vector<16xi1>, vector<16xf32>
      %add3A_281 = arith.addf %add3A_252, %select_n3A_280 : vector<16xf32>
      scf.yield %add3A_270, %add3A_281 : vector<16xf32>, vector<16xf32>
    }
    %scan3A_31 = arith.constant 1024 : i32
    %broadcast_in_dim3A_32 = arith.constant 0.000000e+00 : f32
    %broadcast_in_dim3A_33 = vector.broadcast %broadcast_in_dim3A_32 : f32 to vector<16xf32>
    %div3A = arith.constant 1.000000e-01 : f32
    %div3A_34 = vector.broadcast %div3A : f32 to vector<16xf32>
    %div3A_35 = arith.divf %scan3A_30#0, %div3A_34 : vector<16xf32>
    %add3A_36 = arith.constant 9.99999996E-13 : f32
    %add3A_37 = vector.broadcast %add3A_36 : f32 to vector<16xf32>
    %add3A_38 = arith.addf %div3A_35, %add3A_37 : vector<16xf32>
    %div3A_39 = arith.constant 4.096000e+03 : f32
    %div3A_40 = vector.broadcast %div3A_39 : f32 to vector<16xf32>
    %div3A_41 = arith.divf %div3A_40, %add3A_38 : vector<16xf32>
    %add3A_42 = arith.constant 0 : i32
    %add3A_43 = arith.addi %add3A_14, %add3A_42 : i32
    %get3A_44 = arith.index_cast %add3A_43 : i32 to index
    %get3A_45 = tpu.vector_load %arg5[%get3A_44] {strides = array<i32>} : memref<4096xf32, #tpu.memory_space<vmem>>, vector<16xf32>,
    %get3A_46 = vector.shape_cast %get3A_45 : vector<16xf32> to vector<16xf32>
    %add3A_47 = arith.constant 0 : i32
    %add3A_48 = arith.addi %add3A_14, %add3A_47 : i32
    %get3A_49 = arith.index_cast %add3A_48 : i32 to index
    %get3A_50 = tpu.vector_load %arg6[%get3A_49] {strides = array<i32>} : memref<4096xf32, #tpu.memory_space<vmem>>, vector<16xf32>,
    %get3A_51 = vector.shape_cast %get3A_50 : vector<16xf32> to vector<16xf32>
    %max3A = arith.constant 0.000000e+00 : f32
    %max3A_52 = vector.broadcast %max3A : f32 to vector<16xf32>
    %max3A_53 = arith.maximumf %get3A_46, %max3A_52 : vector<16xf32>
    %mul3A_54 = arith.mulf %get3A_46, %get3A_51 : vector<16xf32>
    %sub3A = arith.subf %max3A_53, %mul3A_54 : vector<16xf32>
    %abs3A = math.absf %get3A_46 : vector<16xf32>
    %neg3A = arith.constant 0.000000e+00 : f32
    %neg3A_55 = vector.broadcast %neg3A : f32 to vector<16xf32>
    %neg3A_56 = arith.subf %neg3A_55, %abs3A : vector<16xf32>
    %exp3A = math.exp %neg3A_56 : vector<16xf32>
    %add3A_57 = arith.constant 2.000000e+00 : f32
    %add3A_58 = vector.broadcast %add3A_57 : f32 to vector<16xf32>
    %add3A_59 = arith.addf %add3A_58, %exp3A : vector<16xf32>
    %div3A_60 = arith.divf %exp3A, %add3A_59 : vector<16xf32>
    %mul3A_61 = arith.mulf %div3A_60, %div3A_60 : vector<16xf32>
    %mul3A_62 = arith.constant 0.0769230798 : f32
    %mul3A_63 = vector.broadcast %mul3A_62 : f32 to vector<16xf32>
    %mul3A_64 = arith.mulf %mul3A_63, %mul3A_61 : vector<16xf32>
    %add3A_65 = arith.constant 0.0909090936 : f32
    %add3A_66 = vector.broadcast %add3A_65 : f32 to vector<16xf32>
    %add3A_67 = arith.addf %mul3A_64, %add3A_66 : vector<16xf32>
    %mul3A_68 = arith.mulf %add3A_67, %mul3A_61 : vector<16xf32>
    %add3A_69 = arith.constant 0.111111112 : f32
    %add3A_70 = vector.broadcast %add3A_69 : f32 to vector<16xf32>
    %add3A_71 = arith.addf %mul3A_68, %add3A_70 : vector<16xf32>
    %mul3A_72 = arith.mulf %add3A_71, %mul3A_61 : vector<16xf32>
    %add3A_73 = arith.constant 0.142857149 : f32
    %add3A_74 = vector.broadcast %add3A_73 : f32 to vector<16xf32>
    %add3A_75 = arith.addf %mul3A_72, %add3A_74 : vector<16xf32>
    %mul3A_76 = arith.mulf %add3A_75, %mul3A_61 : vector<16xf32>
    %add3A_77 = arith.constant 2.000000e-01 : f32
    %add3A_78 = vector.broadcast %add3A_77 : f32 to vector<16xf32>
    %add3A_79 = arith.addf %mul3A_76, %add3A_78 : vector<16xf32>
    %mul3A_80 = arith.mulf %add3A_79, %mul3A_61 : vector<16xf32>
    %add3A_81 = arith.constant 0.333333343 : f32
    %add3A_82 = vector.broadcast %add3A_81 : f32 to vector<16xf32>
    %add3A_83 = arith.addf %mul3A_80, %add3A_82 : vector<16xf32>
    %mul3A_84 = arith.mulf %add3A_83, %mul3A_61 : vector<16xf32>
    %add3A_85 = arith.constant 1.000000e+00 : f32
    %add3A_86 = vector.broadcast %add3A_85 : f32 to vector<16xf32>
    %add3A_87 = arith.addf %mul3A_84, %add3A_86 : vector<16xf32>
    %mul3A_88 = arith.constant 2.000000e+00 : f32
    %mul3A_89 = vector.broadcast %mul3A_88 : f32 to vector<16xf32>
    %mul3A_90 = arith.mulf %mul3A_89, %div3A_60 : vector<16xf32>
    %mul3A_91 = arith.mulf %mul3A_90, %add3A_87 : vector<16xf32>
    %add3A_92 = arith.addf %sub3A, %mul3A_91 : vector<16xf32>
    %mul3A_93 = arith.mulf %div3A_41, %add3A_92 : vector<16xf32>
    %add3A_94 = arith.addf %broadcast_in_dim3A_33, %mul3A_93 : vector<16xf32>
    %div3A_95 = arith.constant 1.000000e-01 : f32
    %div3A_96 = vector.broadcast %div3A_95 : f32 to vector<16xf32>
    %div3A_97 = arith.divf %scan3A_30#1, %div3A_96 : vector<16xf32>
    %add3A_98 = arith.constant 9.99999996E-13 : f32
    %add3A_99 = vector.broadcast %add3A_98 : f32 to vector<16xf32>
    %add3A_100 = arith.addf %div3A_97, %add3A_99 : vector<16xf32>
    %div3A_101 = arith.constant 4.096000e+03 : f32
    %div3A_102 = vector.broadcast %div3A_101 : f32 to vector<16xf32>
    %div3A_103 = arith.divf %div3A_102, %add3A_100 : vector<16xf32>
    %add3A_104 = arith.constant 16 : i32
    %add3A_105 = arith.addi %add3A_14, %add3A_104 : i32
    %get3A_106 = arith.index_cast %add3A_105 : i32 to index
    %get3A_107 = tpu.vector_load %arg5[%get3A_106] {strides = array<i32>} : memref<4096xf32, #tpu.memory_space<vmem>>, vector<16xf32>,
    %get3A_108 = vector.shape_cast %get3A_107 : vector<16xf32> to vector<16xf32>
    %add3A_109 = arith.constant 16 : i32
    %add3A_110 = arith.addi %add3A_14, %add3A_109 : i32
    %get3A_111 = arith.index_cast %add3A_110 : i32 to index
    %get3A_112 = tpu.vector_load %arg6[%get3A_111] {strides = array<i32>} : memref<4096xf32, #tpu.memory_space<vmem>>, vector<16xf32>,
    %get3A_113 = vector.shape_cast %get3A_112 : vector<16xf32> to vector<16xf32>
    %max3A_114 = arith.constant 0.000000e+00 : f32
    %max3A_115 = vector.broadcast %max3A_114 : f32 to vector<16xf32>
    %max3A_116 = arith.maximumf %get3A_108, %max3A_115 : vector<16xf32>
    %mul3A_117 = arith.mulf %get3A_108, %get3A_113 : vector<16xf32>
    %sub3A_118 = arith.subf %max3A_116, %mul3A_117 : vector<16xf32>
    %abs3A_119 = math.absf %get3A_108 : vector<16xf32>
    %neg3A_120 = arith.constant 0.000000e+00 : f32
    %neg3A_121 = vector.broadcast %neg3A_120 : f32 to vector<16xf32>
    %neg3A_122 = arith.subf %neg3A_121, %abs3A_119 : vector<16xf32>
    %exp3A_123 = math.exp %neg3A_122 : vector<16xf32>
    %add3A_124 = arith.constant 2.000000e+00 : f32
    %add3A_125 = vector.broadcast %add3A_124 : f32 to vector<16xf32>
    %add3A_126 = arith.addf %add3A_125, %exp3A_123 : vector<16xf32>
    %div3A_127 = arith.divf %exp3A_123, %add3A_126 : vector<16xf32>
    %mul3A_128 = arith.mulf %div3A_127, %div3A_127 : vector<16xf32>
    %mul3A_129 = arith.constant 0.0769230798 : f32
    %mul3A_130 = vector.broadcast %mul3A_129 : f32 to vector<16xf32>
    %mul3A_131 = arith.mulf %mul3A_130, %mul3A_128 : vector<16xf32>
    %add3A_132 = arith.constant 0.0909090936 : f32
    %add3A_133 = vector.broadcast %add3A_132 : f32 to vector<16xf32>
    %add3A_134 = arith.addf %mul3A_131, %add3A_133 : vector<16xf32>
    %mul3A_135 = arith.mulf %add3A_134, %mul3A_128 : vector<16xf32>
    %add3A_136 = arith.constant 0.111111112 : f32
    %add3A_137 = vector.broadcast %add3A_136 : f32 to vector<16xf32>
    %add3A_138 = arith.addf %mul3A_135, %add3A_137 : vector<16xf32>
    %mul3A_139 = arith.mulf %add3A_138, %mul3A_128 : vector<16xf32>
    %add3A_140 = arith.constant 0.142857149 : f32
    %add3A_141 = vector.broadcast %add3A_140 : f32 to vector<16xf32>
    %add3A_142 = arith.addf %mul3A_139, %add3A_141 : vector<16xf32>
    %mul3A_143 = arith.mulf %add3A_142, %mul3A_128 : vector<16xf32>
    %add3A_144 = arith.constant 2.000000e-01 : f32
    %add3A_145 = vector.broadcast %add3A_144 : f32 to vector<16xf32>
    %add3A_146 = arith.addf %mul3A_143, %add3A_145 : vector<16xf32>
    %mul3A_147 = arith.mulf %add3A_146, %mul3A_128 : vector<16xf32>
    %add3A_148 = arith.constant 0.333333343 : f32
    %add3A_149 = vector.broadcast %add3A_148 : f32 to vector<16xf32>
    %add3A_150 = arith.addf %mul3A_147, %add3A_149 : vector<16xf32>
    %mul3A_151 = arith.mulf %add3A_150, %mul3A_128 : vector<16xf32>
    %add3A_152 = arith.constant 1.000000e+00 : f32
    %add3A_153 = vector.broadcast %add3A_152 : f32 to vector<16xf32>
    %add3A_154 = arith.addf %mul3A_151, %add3A_153 : vector<16xf32>
    %mul3A_155 = arith.constant 2.000000e+00 : f32
    %mul3A_156 = vector.broadcast %mul3A_155 : f32 to vector<16xf32>
    %mul3A_157 = arith.mulf %mul3A_156, %div3A_127 : vector<16xf32>
    %mul3A_158 = arith.mulf %mul3A_157, %add3A_154 : vector<16xf32>
    %add3A_159 = arith.addf %sub3A_118, %mul3A_158 : vector<16xf32>
    %mul3A_160 = arith.mulf %div3A_103, %add3A_159 : vector<16xf32>
    %add3A_161 = arith.addf %add3A_94, %mul3A_160 : vector<16xf32>
    %swap3A_162 = arith.constant 0 : index
    %swap3A_163 = tpu.vector_load %arg8[%swap3A_162] {strides = array<i32>} : memref<16xf32, #tpu.memory_space<vmem>>, vector<16xf32>,
    %swap3A_164 = vector.shape_cast %swap3A_163 : vector<16xf32> to vector<16xf32>
    %swap3A_165 = vector.shape_cast %add3A_161 : vector<16xf32> to vector<16xf32>
    tpu.vector_store %arg8[%swap3A_162], %swap3A_165 {strides = array<i32>} : memref<16xf32, #tpu.memory_space<vmem>>, vector<16xf32>,
    "tpu.region"() ({
      %run_scoped3A = tpu.sem_alloc : memref<!tpu.dma_semaphore, #tpu.memory_space<semaphore_mem>>
      %dma_start3A = arith.constant 0 : i32
      %dma_start3A_166 = tpu.memref_slice %arg4[%add3A, %dma_start3A] : memref<32x16xf32, #tpu.memory_space<hbm>> -> memref<1x16xf32, #tpu.memory_space<hbm>>
      %dma_start3A_167 = tpu.memref_squeeze %dma_start3A_166 : memref<1x16xf32, #tpu.memory_space<hbm>> -> memref<16xf32, #tpu.memory_space<hbm>>
      %dma_start3A_168 = arith.constant 0 : i32
      %dma_start3A_169 = tpu.memref_slice %arg4[%add3A, %dma_start3A_168] : memref<32x16xf32, #tpu.memory_space<hbm>> -> memref<1x16xf32, #tpu.memory_space<hbm>>
      %dma_start3A_170 = tpu.memref_squeeze %dma_start3A_169 : memref<1x16xf32, #tpu.memory_space<hbm>> -> memref<16xf32, #tpu.memory_space<hbm>>
      tpu.enqueue_dma source(%arg8 : memref<16xf32, #tpu.memory_space<vmem>>) target(%dma_start3A_170 : memref<16xf32, #tpu.memory_space<hbm>>) target_semaphore(%run_scoped3A : memref<!tpu.dma_semaphore, #tpu.memory_space<semaphore_mem>>)
      %dma_wait3A = arith.constant 0 : i32
      %dma_wait3A_171 = tpu.memref_slice %arg4[%add3A, %dma_wait3A] : memref<32x16xf32, #tpu.memory_space<hbm>> -> memref<1x16xf32, #tpu.memory_space<hbm>>
      %dma_wait3A_172 = tpu.memref_squeeze %dma_wait3A_171 : memref<1x16xf32, #tpu.memory_space<hbm>> -> memref<16xf32, #tpu.memory_space<hbm>>
      %dma_wait3A_173 = arith.constant 0 : i32
      %dma_wait3A_174 = tpu.memref_slice %arg4[%add3A, %dma_wait3A_173] : memref<32x16xf32, #tpu.memory_space<hbm>> -> memref<1x16xf32, #tpu.memory_space<hbm>>
      %dma_wait3A_175 = tpu.memref_squeeze %dma_wait3A_174 : memref<1x16xf32, #tpu.memory_space<hbm>> -> memref<16xf32, #tpu.memory_space<hbm>>
      tpu.wait_dma2 semaphore(%run_scoped3A : memref<!tpu.dma_semaphore, #tpu.memory_space<semaphore_mem>>) src(%arg8 : memref<16xf32, #tpu.memory_space<vmem>>) dst(%dma_wait3A_175 : memref<16xf32, #tpu.memory_space<hbm>>)
      tpu.yield
    }) : () -> ()
    return
  }
}

module attributes {stable_mosaic.version = 14 : i64} {
  func.func @_tc_body(%arg0: i32, %arg1: memref<1x512xf32, #tpu.memory_space<vmem>>, %arg2: memref<1x512xf32, #tpu.memory_space<vmem>>, %arg3: memref<1x4096xf32, #tpu.memory_space<vmem>>, %arg4: memref<1x4096xf32, #tpu.memory_space<vmem>>, %arg5: memref<1x1x1xf32, #tpu.memory_space<vmem>>) attributes {dimension_semantics = [#tpu.dimension_semantics<arbitrary>], iteration_bounds = array<i64: 6>, scalar_prefetch = 0 : i64, scratch_operands = 0 : i64, tpu.core_type = #tpu.core_type<tc>, window_params = [{transform_indices = @transform_0, window_bounds = array<i64: 1, 512>}, {transform_indices = @transform_1, window_bounds = array<i64: 1, 512>}, {pipeline_mode = #tpu.pipeline_mode<synchronous>, transform_indices = @transform_2, window_bounds = array<i64: 1, 4096>}, {pipeline_mode = #tpu.pipeline_mode<synchronous>, transform_indices = @transform_3, window_bounds = array<i64: 1, 4096>}, {pipeline_mode = #tpu.pipeline_mode<synchronous>, transform_indices = @transform_4, window_bounds = array<i64: 1, 1, 1>}]} {
    %get3A = arith.constant 0 : index
    %get3A_0 = arith.constant 0 : index
    %get3A_1 = vector.load %arg1[%get3A, %get3A_0] : memref<1x512xf32, #tpu.memory_space<vmem>>, vector<1x512xf32>
    %reshape3A = vector.shape_cast %get3A_1 : vector<1x512xf32> to vector<512x1xf32>
    %get3A_2 = arith.constant 0 : index
    %get3A_3 = arith.constant 0 : index
    %get3A_4 = vector.load %arg2[%get3A_2, %get3A_3] : memref<1x512xf32, #tpu.memory_space<vmem>>, vector<1x512xf32>
    %reshape3A_5 = vector.shape_cast %get3A_4 : vector<1x512xf32> to vector<512x1xf32>
    %get3A_6 = arith.constant 0 : index
    %get3A_7 = arith.constant 0 : index
    %get3A_8 = vector.load %arg3[%get3A_6, %get3A_7] : memref<1x4096xf32, #tpu.memory_space<vmem>>, vector<1x4096xf32>
    %get3A_9 = arith.constant 0 : index
    %get3A_10 = arith.constant 0 : index
    %get3A_11 = vector.load %arg4[%get3A_9, %get3A_10] : memref<1x4096xf32, #tpu.memory_space<vmem>>, vector<1x4096xf32>
    %logistic3A = arith.negf %reshape3A : vector<512x1xf32>
    %logistic3A_12 = math.exp %logistic3A : vector<512x1xf32>
    %logistic3A_13 = arith.constant 1.000000e+00 : f32
    %logistic3A_14 = vector.broadcast %logistic3A_13 : f32 to vector<512x1xf32>
    %logistic3A_15 = arith.addf %logistic3A_14, %logistic3A_12 : vector<512x1xf32>
    %logistic3A_16 = arith.divf %logistic3A_14, %logistic3A_15 : vector<512x1xf32>
    %sub3A = arith.subf %logistic3A_16, %reshape3A_5 : vector<512x1xf32>
    %abs3A = math.absf %sub3A : vector<512x1xf32>
    %logistic3A_17 = arith.negf %get3A_8 : vector<1x4096xf32>
    %logistic3A_18 = math.exp %logistic3A_17 : vector<1x4096xf32>
    %logistic3A_19 = arith.constant 1.000000e+00 : f32
    %logistic3A_20 = vector.broadcast %logistic3A_19 : f32 to vector<1x4096xf32>
    %logistic3A_21 = arith.addf %logistic3A_20, %logistic3A_18 : vector<1x4096xf32>
    %logistic3A_22 = arith.divf %logistic3A_20, %logistic3A_21 : vector<1x4096xf32>
    %sub3A_23 = arith.subf %logistic3A_22, %get3A_11 : vector<1x4096xf32>
    %abs3A_24 = math.absf %sub3A_23 : vector<1x4096xf32>
    %sub3A_25 = vector.broadcast %abs3A : vector<512x1xf32> to vector<512x4096xf32>
    %sub3A_26 = vector.broadcast %abs3A_24 : vector<1x4096xf32> to vector<512x4096xf32>
    %sub3A_27 = arith.subf %sub3A_25, %sub3A_26 : vector<512x4096xf32>
    %abs3A_28 = math.absf %sub3A_27 : vector<512x4096xf32>
    %le3A = arith.constant 1.000000e-01 : f32
    %le3A_29 = vector.broadcast %le3A : f32 to vector<512x4096xf32>
    %le3A_30 = arith.cmpf ole, %abs3A_28, %le3A_29 : vector<512x4096xf32>
    %convert_element_type3A = arith.extui %le3A_30 : vector<512x4096xi1> to vector<512x4096xi32>
    %convert_element_type3A_31 = arith.sitofp %convert_element_type3A : vector<512x4096xi32> to vector<512x4096xf32>
    %reduce_sum3A = arith.constant dense<0.000000e+00> : vector<512xf32>
    %reduce_sum3A_32 = vector.multi_reduction <add>, %convert_element_type3A_31, %reduce_sum3A [1] : vector<512x4096xf32> to vector<512xf32>
    %broadcast_in_dim3A = vector.shape_cast %reduce_sum3A_32 : vector<512xf32> to vector<512x1xf32>
    %div3A = arith.constant 1.000000e-01 : f32
    %div3A_33 = vector.broadcast %div3A : f32 to vector<512x1xf32>
    %div3A_34 = arith.divf %broadcast_in_dim3A, %div3A_33 : vector<512x1xf32>
    %add3A = arith.constant 9.99999996E-13 : f32
    %add3A_35 = vector.broadcast %add3A : f32 to vector<512x1xf32>
    %add3A_36 = arith.addf %div3A_34, %add3A_35 : vector<512x1xf32>
    %div3A_37 = arith.constant 4.096000e+03 : f32
    %div3A_38 = vector.broadcast %div3A_37 : f32 to vector<512x1xf32>
    %div3A_39 = arith.divf %div3A_38, %add3A_36 : vector<512x1xf32>
    %max3A = arith.constant 0.000000e+00 : f32
    %max3A_40 = vector.broadcast %max3A : f32 to vector<512x1xf32>
    %max3A_41 = arith.maximumf %reshape3A, %max3A_40 : vector<512x1xf32>
    %mul3A = arith.mulf %reshape3A, %reshape3A_5 : vector<512x1xf32>
    %sub3A_42 = arith.subf %max3A_41, %mul3A : vector<512x1xf32>
    %abs3A_43 = math.absf %reshape3A : vector<512x1xf32>
    %neg3A = arith.constant 0.000000e+00 : f32
    %neg3A_44 = vector.broadcast %neg3A : f32 to vector<512x1xf32>
    %neg3A_45 = arith.subf %neg3A_44, %abs3A_43 : vector<512x1xf32>
    %exp3A = math.exp %neg3A_45 : vector<512x1xf32>
    %log1p3A = math.log1p %exp3A : vector<512x1xf32>
    %add3A_46 = arith.addf %sub3A_42, %log1p3A : vector<512x1xf32>
    %eq3A = arith.constant 0 : i32
    %eq3A_47 = arith.cmpi eq, %arg0, %eq3A : i32
    %convert_element_type3A_48 = arith.extui %eq3A_47 : i1 to i32
    %cond3A = arith.constant 0 : i32
    %cond3A_49 = arith.cmpi ne, %convert_element_type3A_48, %cond3A : i32
    scf.if %cond3A_49 {
      %broadcast_in_dim3A_65 = arith.constant 0.000000e+00 : f32
      %broadcast_in_dim3A_66 = vector.broadcast %broadcast_in_dim3A_65 : f32 to vector<1x1x1xf32>
      %swap3A_67 = arith.constant 0 : index
      %swap3A_68 = arith.constant 0 : index
      %swap3A_69 = arith.constant 0 : index
      %swap3A_70 = vector.load %arg5[%swap3A_67, %swap3A_68, %swap3A_69] : memref<1x1x1xf32, #tpu.memory_space<vmem>>, vector<1x1x1xf32>
      tpu.vector_store %arg5[%swap3A_67, %swap3A_68, %swap3A_69], %broadcast_in_dim3A_66 {strides = array<i32>} : memref<1x1x1xf32, #tpu.memory_space<vmem>>, vector<1x1x1xf32>,
    } else {
    }
    %get3A_50 = arith.constant 0 : index
    %get3A_51 = arith.constant 0 : index
    %get3A_52 = arith.constant 0 : index
    %get3A_53 = vector.load %arg5[%get3A_50, %get3A_51, %get3A_52] : memref<1x1x1xf32, #tpu.memory_space<vmem>>, vector<1x1x1xf32>
    %mul3A_54 = arith.mulf %div3A_39, %add3A_46 : vector<512x1xf32>
    %reduce_sum3A_55 = vector.shape_cast %mul3A_54 : vector<512x1xf32> to vector<1x512x1xf32>
    %reduce_sum3A_56 = arith.constant dense<0.000000e+00> : vector<1xf32>
    %reduce_sum3A_57 = vector.multi_reduction <add>, %reduce_sum3A_55, %reduce_sum3A_56 [1, 2] : vector<1x512x1xf32> to vector<1xf32>
    %reduce_sum3A_58 = vector.shape_cast %reduce_sum3A_57 : vector<1xf32> to vector<1x1x1xf32>
    %reduce_sum3A_59 = vector.extract %reduce_sum3A_58[0, 0, 0] : f32 from vector<1x1x1xf32>
    %reshape3A_60 = vector.broadcast %reduce_sum3A_59 : f32 to vector<1x1x1xf32>
    %add3A_61 = arith.addf %get3A_53, %reshape3A_60 : vector<1x1x1xf32>
    %swap3A = arith.constant 0 : index
    %swap3A_62 = arith.constant 0 : index
    %swap3A_63 = arith.constant 0 : index
    %swap3A_64 = vector.load %arg5[%swap3A, %swap3A_62, %swap3A_63] : memref<1x1x1xf32, #tpu.memory_space<vmem>>, vector<1x1x1xf32>
    tpu.vector_store %arg5[%swap3A, %swap3A_62, %swap3A_63], %add3A_61 {strides = array<i32>} : memref<1x1x1xf32, #tpu.memory_space<vmem>>, vector<1x1x1xf32>,
    return
  }
  func.func @transform_0(%arg0: i32) -> (i32, i32) {
    %c0_i32 = arith.constant 0 : i32
    %c0_i32_0 = arith.constant 0 : i32
    return %c0_i32, %arg0 : i32, i32
  }
  func.func @transform_1(%arg0: i32) -> (i32, i32) {
    %c0_i32 = arith.constant 0 : i32
    %c0_i32_0 = arith.constant 0 : i32
    return %c0_i32, %arg0 : i32, i32
  }
  func.func @transform_2(%arg0: i32) -> (i32, i32) {
    %c0_i32 = arith.constant 0 : i32
    %c0_i32_0 = arith.constant 0 : i32
    %c0_i32_1 = arith.constant 0 : i32
    return %c0_i32, %c0_i32_0 : i32, i32
  }
  func.func @transform_3(%arg0: i32) -> (i32, i32) {
    %c0_i32 = arith.constant 0 : i32
    %c0_i32_0 = arith.constant 0 : i32
    %c0_i32_1 = arith.constant 0 : i32
    return %c0_i32, %c0_i32_0 : i32, i32
  }
  func.func @transform_4(%arg0: i32) -> (i32, i32, i32) {
    %c0_i32 = arith.constant 0 : i32
    %c0_i32_0 = arith.constant 0 : i32
    %c0_i32_1 = arith.constant 0 : i32
    %c0_i32_2 = arith.constant 0 : i32
    return %c0_i32, %c0_i32_0, %c0_i32_1 : i32, i32, i32
  }
}

</mosaic_0001>

<sc_bundles>
// kernel: kernel.4.cloned.1.call-start
scs
__scs_entry_jumppad:
0x0: {  	(pc) =	sbr.rel $0x88, $3  }
0x1: {  	(tag) =	ssettag $0x0;
	lr =	simm.s32 $0x1  }
0x2: {  	[smem:$0x3F9F] =	sst lr;
	_ =	strace $0xD0000000  }
0x3: {  	_ = 	snop  }
0x4: {  	_ = 	snop  }
0x5: {  	_ = 	snop  }
0x6: {  	_ = 	snop  }
0x7: {  	_ = 	snop  }
__scs_overlays_trampoline_lowered:
0x8: {  	[smem:$0x3FAE] =	sst s0  }
0x9: {  	[smem:$0x3FAF] =	sst s1  }
0xa: {  	[smem:$0x3FB0] =	sst s2  }
0xb: {  	[smem:$0x3FB1] =	sst s3  }
0xc: {  	[smem:$0x3FB2] =	sst s4  }
0xd: {  	[smem:$0x3FB3] =	sst s5  }
0xe: {  	[smem:$0x3FB4] =	sst s6  }
0xf: {  	[smem:$0x3FB5] =	sst s7  }
0x10: {  	[smem:$0x3FB6] =	sst s8  }
0x11: {  	[smem:$0x3FB7] =	sst s9;
	s0 =	simm.s32 @!p0 $0x0  }
0x12: {  	s1 =	sld [smem:$0x3F9D];
	s0 =	simm.s32 @p0 $0x1  }
0x13: {  	[smem:$0x3FB8] =	sst s0;
	s0 =	simm.s32 @!p1 $0x0  }
0x14: {  	s2 =	sld [smem:$0x3F9C];
	s0 =	simm.s32 @p1 $0x1  }
0x15: {  	[smem:$0x3FB9] =	sst s0;
	s0 =	simm.s32 @!p2 $0x0  }
0x16: {  	s3 =	sld [smem:$0x3FDB];
	s0 =	simm.s32 @p2 $0x1  }
0x17: {  	s4 =	simm.s32 $0x1BF5;
	[smem:$0x3FBB] =	sst s0  }
0x18: {  	s0 =	sld [smem:$0x3F9E];
	_ =	swait.ge [sflag:s4], $0x0  }
0x19: {  	s7 =	sld [smem:$0x3F9F]  }
0x1a: {  	s8 =	sadd.s32 $0xFFFFE003, lr  }
0x1b: {  	s9 =	sadd.s32 $0xFFFFFEF7, lr;
	s5 =	simm.s32 $0xFFFFFFFF;
	p2 =	slt.u32 s8, $0xFFFFF086  }
0x1c: {  	p1 =	slt.u32 s9, $0xF7A;
	s5 =	simm.s32 @!p2 $0x0  }
0x1d: {  	s5 =	simm.s32 @p1 $0x1;
	p0 =	seq.s32 s7, s2  }
0x1e: {  	s7 =	smul.u32 @!p0 $0xF7A, s2;
	p2 =	seq.s32 @!p0 s5, $0x0  }
0x1f: {  	s9 =	smul.u32 $0xF7A, s1;
	s8 =	simm.s32 @!p0 $0x1BF5;
	p2 =	por !p2, p0  }
0x20: {  	[sflag:s8] =	ssyncset.s32 @!p0 $0xFFFFF086;
	s6 =	sadd.s32 @!p0 s3, s7;
	s7 =	simm.s32 @!p0 $0x108  }
0x21: {  	s3 =	sadd.s32 s3, s9;
	s6 =	sadd.s32 @!p0 $0x88, s6;
	s7 =	simm.s32 @p2 $0x1082  }
0x22: {  	[simem:s7], [sflag:s8] =	dma.local @!p0 [hbm:s6], $0xF7A  }
0x23: {  	s9 =	sor.u32 $0xD0000000, s2;
	s6 =	simm.s32 $0x108;
	_ =	swait.ge @!p0 [sflag:s8], $0x0  }
0x24: {  	s3 =	sadd.s32 $0x88, s3;
	s6 =	simm.s32 @!p1 $0x1082;
	[sflag:s4] =	ssyncset.s32 $0xFFFFF086  }
0x25: {  	[simem:s6], [sflag:s4] =	dma.local [hbm:s3], $0xF7A  }
0x26: {  	[smem:$0x3F9F] =	sst s1;
	(tag) =	ssettag s2;
	_ =	strace s9  }
0x27: {  	s1 =	sld [smem:$0x3FAF]  }
0x28: {  	s2 =	sld [smem:$0x3FB0]  }
0x29: {  	s4 =	sld [smem:$0x3FB2]  }
0x2a: {  	p0 =	seq.s32 s5, $0x0;
	s5 =	sld [smem:$0x3FB3]  }
0x2b: {  	s6 =	sld [smem:$0x3FB4]  }
0x2c: {  	s7 =	sld [smem:$0x3FB5]  }
0x2d: {  	s3 =	simm.s32 $0x108;
	s8 =	sld [smem:$0x3FB6]  }
0x2e: {  	s3 =	simm.s32 @!p0 $0x1082;
	s9 =	sld [smem:$0x3FB7]  }
0x2f: {  	lr =	sadd.s32 s0, s3;
	s0 =	sld [smem:$0x3FAE]  }
0x30: {  	s3 =	sld [smem:$0x3FB1]  }
0x31: {  	[smem:$0x3FBA] =	sst s10  }
0x32: {  	s10 =	sld [smem:$0x3FB8];
	_ =	sdelay $0x3  }
0x33: {  	p0 =	seq.s32 s10, $0x1;
	s10 =	sld [smem:$0x3FBA];
	_ =	sdelay $0x3  }
0x34: {  	[smem:$0x3FBA] =	sst s10  }
0x35: {  	s10 =	sld [smem:$0x3FB9];
	_ =	sdelay $0x3  }
0x36: {  	p1 =	seq.s32 s10, $0x1;
	s10 =	sld [smem:$0x3FBA];
	_ =	sdelay $0x3  }
0x37: {  	[smem:$0x3FBA] =	sst s10  }
0x38: {  	s10 =	sld [smem:$0x3FBB]  }
0x39: {  	_ = 	snop;
	(pc) =	sbr.ind lr, $3  }
0x3a: {  	_ = 	snop  }
0x3b: {  	_ = 	snop  }
0x3c: {  	p2 =	seq.s32 s10, $0x1;
	s10 =	sld [smem:$0x3FBA]  }
0x3d: {  	_ =	shalt  }
0x3e: {  	_ =	shalt  }
0x3f: {  	_ =	shalt  }
0x40: {  	_ =	shalt  }
0x41: {  	_ =	shalt  }
0x42: {  	_ =	shalt  }
0x43: {  	_ =	shalt  }
0x44: {  	_ =	shalt  }
0x45: {  	_ =	shalt  }
0x46: {  	_ =	shalt  }
0x47: {  	_ =	shalt  }
0x48: {  	_ =	shalt  }
0x49: {  	_ =	shalt  }
0x4a: {  	_ =	shalt  }
0x4b: {  	_ =	shalt  }
0x4c: {  	_ =	shalt  }
0x4d: {  	_ =	shalt  }
0x4e: {  	_ =	shalt  }
0x4f: {  	_ =	shalt  }
0x50: {  	_ =	shalt  }
0x51: {  	_ =	shalt  }
0x52: {  	_ =	shalt  }
0x53: {  	_ =	shalt  }
0x54: {  	_ =	shalt  }
0x55: {  	_ =	shalt  }
0x56: {  	_ =	shalt  }
0x57: {  	_ =	shalt  }
0x58: {  	_ =	shalt  }
0x59: {  	_ =	shalt  }
0x5a: {  	_ =	shalt  }
0x5b: {  	_ =	shalt  }
0x5c: {  	_ =	shalt  }
0x5d: {  	_ =	shalt  }
0x5e: {  	_ =	shalt  }
0x5f: {  	_ =	shalt  }
0x60: {  	_ =	shalt  }
0x61: {  	_ =	shalt  }
0x62: {  	_ =	shalt  }
0x63: {  	_ =	shalt  }
0x64: {  	_ =	shalt  }
0x65: {  	_ =	shalt  }
0x66: {  	_ =	shalt  }
0x67: {  	_ =	shalt  }
0x68: {  	_ =	shalt  }
0x69: {  	_ =	shalt  }
0x6a: {  	_ =	shalt  }
0x6b: {  	_ =	shalt  }
0x6c: {  	_ =	shalt  }
0x6d: {  	_ =	shalt  }
0x6e: {  	_ =	shalt  }
0x6f: {  	_ =	shalt  }
0x70: {  	_ =	shalt  }
0x71: {  	_ =	shalt  }
0x72: {  	_ =	shalt  }
0x73: {  	_ =	shalt  }
0x74: {  	_ =	shalt  }
0x75: {  	_ =	shalt  }
0x76: {  	_ =	shalt  }
0x77: {  	_ =	shalt  }
0x78: {  	_ =	shalt  }
0x79: {  	_ =	shalt  }
0x7a: {  	_ =	shalt  }
0x7b: {  	_ =	shalt  }
0x7c: {  	_ =	shalt  }
0x7d: {  	_ =	shalt  }
0x7e: {  	_ =	shalt  }
0x7f: {  	_ =	shalt  }
0x80: {  	_ =	shalt  }
0x81: {  	_ =	shalt  }
0x82: {  	_ =	shalt  }
0x83: {  	_ =	shalt  }
0x84: {  	_ =	shalt  }
0x85: {  	_ =	shalt  }
0x86: {  	_ =	shalt  }
0x87: {  	_ =	shalt  }
.Lfunc_end0:
.L_simem_size_0:
called_computation_lowered:
.L_overlay_start_0:
0x88: {  	s2 =	sld [smem:$0x3FD9]  }
0x89: {  	s3 =	sld [smem:$0x3FFE];
	_ =	sdelay $0x1  }
0x8a: {  	s1 =	srdreg.scid  }
0x8b: {  	s0 =	sand.u32 $0x1, s1  }
0x8c: {  	s17 =	sshll.u32 s0, $0xA;
	s2 =	sadd.s32 s3, s2  }
0x8d: {  	s2 =	sadd.s32 s2, s17  }
0x8e: {  	[smem:$0x3FC6] =	sst s2  }
0x8f: {  	_ = 	snop  }
0x90: {  	s2 =	sld [smem:$0x3FC9]  }
0x91: {  	s18 =	sld [smem:$0x3FC8];
	(tm) =	ssettm $0x1  }
0x92: {  	s4 =	sld [smem:$0x3FFB];
	_ =	sdelay $0x3  }
0x93: {  	_ =	strace s4  }
0x94: {  	s4 =	sld [smem:$0x3FFC];
	_ =	sdelay $0x3  }
0x95: {  	_ =	strace s4  }
0x96: {  	s4 =	sld [smem:$0x3FFD];
	_ =	sdelay $0x3  }
0x97: {  	_ =	strace s4  }
0x98: {  	_ =	strace $0x8FFFFFFF  }
0x99: {  	s19 =	sld [smem:$0x3FDB];
	_ =	sdelay $0x1  }
0x9a: {  	s5 =	simm.s32 $_scs_section_size  }
0x9b: {  	s6 =	simm.s32 $_size__tile_overlayer_lowered;
	s7 =	simm.s32 $_tile_overlayer_lowered  }
0x9c: {  	s22 =	simm.s32 $0x1BFF;
	s21 =	sshll.u32 s7, $0x1;
	s4 =	sadd.s32 s5, s19  }
0x9d: {  	s8 =	simm.s32 $0x0;
	s20 =	sshll.u32 s6, $0x1;
	s6 =	sadd.s32 s21, s4  }
0x9e: {  	[timem:s8], [sflag:s22] =	dma.local [hbm:s6], s20  }
0x9f: {  	_ =	swait.ge [sflag:s22], s20  }
0xa0: {  	s5 =	ssub.s32 $0x0, s20;
	[sflag:s22] =	ssyncset.done $0x0  }
0xa1: {  	[sflag:s22] =	ssyncadd.s32 s5;
	_ =	sdelay $0x1  }
0xa2: {  	s23 =	simm.s32 $0x1B8B  }
0xa3: {  	_ =	swait.ge [sflag:s23], $0x1  }
0xa4: {  	[sflag:s23] =	ssyncset.done $0x0  }
0xa5: {  	s25 =	simm.s32 $0x1B8E;
	s24 =	sld [smem:$0x3FFE];
	[sflag:s23] =	ssyncadd.s32 $0xFFFFFFFF  }
0xa6: {  	s26 =	simm.s32 $execute0_lowered;
	[smem:$0x3FD2] =	sst s25  }
0xa7: {  	s6 =	sshll.u32 s26, $0x1;
	_ =	strace $0x80000046;
	[dreg:$0x1] =	wrdreg $0xFFFFFFFF  }
0xa8: {  	s28 =	simm.s32 $_size_execute0_lowered;
	s4 =	sadd.s32 s4, s6;
	[dreg:$0x0] =	wrdreg $0x0  }
0xa9: {  	s6 =	sshll.u32 s28, $0x1;
	[dreg:$0x2] =	wrdreg s4  }
0xaa: {  	[dreg:$0x3] =	wrdreg s6  }
0xab: {  	[dreg:$0x4] =	wrdreg $0xC0  }
0xac: {  	_ =	task [dreg:s8], $0x5FFFF  }
0xad: {  	[dreg:$0x1] =	wrdreg $0xFFFFFFFF  }
0xae: {  	[dreg:$0x0] =	wrdreg $0x60  }
0xaf: {  	[dreg:$0x2] =	wrdreg s2  }
0xb0: {  	[dreg:$0x3] =	wrdreg s18  }
0xb1: {  	[dreg:$0x4] =	wrdreg s24  }
0xb2: {  	[dreg:$0x5] =	wrdreg $0x9  }
0xb3: {  	_ =	task.clear_ibuf [dreg:s8], $0x6FFFF;
	_ =	strace $0x90000046  }
0xb4: {  	s29 =	simm.s32 $0x9;
	_ =	strace $0x80000048  }
0xb5: {  	_ =	swait.ge [sflag:s29], $0x1  }
0xb6: {  	[sflag:s29] =	ssyncadd.s32 $0xFFFFFFFF  }
0xb7: {  	_ =	strace $0x90000048  }
0xb8: {  	_ =	sfence  }
0xb9: {  	s30 =	sld [smem:$0x0];
	_ =	sdelay $0x2  }
0xba: {  	s31 =	sshll.u32 s1, $0xD;
	s1 =	sshrl.u32 s1, $0x2  }
0xbb: {  	s3 =	sand.u32 $0x4000, s31;
	s1 =	sadd.s32 s1, s30  }
0xbc: {  	s0 =	sor.u32 s3, s0;
	s1 =	sshll.u32 s1, $0x11  }
0xbd: {  	s0 =	sor.u32 s1, s0  }
0xbe: {  	s0 =	sadd.s32 $0x8F2B, s0  }
0xbf: {  	[sflag:s0] =	ssyncadd.remote.s32 $0x1  }
0xc0: {  	_ =	sfence.sel $0xFFFF  }
0xc1: {  	[dreg:$0x0] =	wrdreg $0xFFFFFFFF;
	(pc) =	sbr.abs _section_cstart, $3  }
0xc2: {  	[dreg:$0x1] =	wrdreg $0xFFFFFFFF  }
0xc3: {  	_ =	task.clear_ibuf [dreg:s8], $0x2FFFF;
	_ =	strace $0x9FFFFFFF  }
0xc4: {  	(tm) =	ssettm $0x7FFFFFFF  }
0xc5: {  	_ =	shalt  }
tec
execute0_lowered:
.L_overlay_start_1:
0x0: {  	(tag) =	ssettag $0x1  }
0x1: {  	s1 =	rddreg [dreg:$0x0]  }
0x2: {  	s2 =	rddreg [dreg:$0x1]  }
0x3: {  	s5 =	rddreg [dreg:$0x2];
	s3 =	simm.s32 $0x0  }
0x4: {  	[smem:$0x7FF] =	sst s3  }
0x5: {  	s0 =	rddreg [dreg:$0x3];
	v0 =	vimm.f32 $1.000000010e-01;
	_ =	strace $0x80000047  }
0x6: {  	(erf) = vrcp.f32 v0;
	_ =	sdelay $0x2  }
0x7: {  	s6 =	srdreg.scid;
	s4 =	stileid.u32  }
0x8: {  	s6 =	sand.u32 $0x1, s6;
	s7 =	sshll.u32 s4, $0x1  }
0x9: {  	s10 =	simm.s32 $0x1000;
	s11 =	simm.s32 $0x3080;
	s7 =	sor.u32 s6, s7  }
0xa: {  	s12 =	simm.s32 $0x0;
	s6 =	ssub.s32 $0x2, s6;
	s8 =	sshll.u32 s7, $0x4  }
0xb: {  	s31 =	sshrl.u32 s6, $0x1;
	s7 =	sshll.u32 s7, $0x5;
	s8 =	sadd.s32 s8, s5  }
0xc: {  	s9 =	ssub.s32 s6, s31;
	s5 =	sor.u32 $0xC00, s7;
	s6 =	sor.u32 $0xC10, s7  }
0xd: {  	v1 =	vimm.f32 $0.0e+00;
	s7 =	sadd.s32 $0x400, s8;
	s8 =	smax.u32 s9, $0x1;
	s9 =	simm.s32 $0x1;
	v0 =	vpop (erf)  }
.LBB2_1:
0xe: {  	[tilespmem:s3], [sflag:$0x1] =	stream.linear.gather [hbm4b:s1+s3], $0x1000, $0x38;
	[tilespmem:$0x3100] =	vst v63  }
0xf: {  	_ =	swait.ge [sflag:s9], $0x1000  }
0x10: {  	[sflag:s9] =	ssyncset.done $0x0  }
0x11: {  	[sflag:s9] =	ssyncadd.s32 $0xFFFFF000  }
0x12: {  	[tilespmem:s10], [sflag:$0x1] =	stream.linear.gather [hbm4b:s2+s3], $0x1000, $0x38;
	[tilespmem:$0x3100] =	vst v63  }
0x13: {  	_ =	swait.ge [sflag:s9], $0x1000  }
0x14: {  	[sflag:s9] =	ssyncset.done $0x0  }
0x15: {  	s16 =	simm.s32 $0x0;
	[sflag:s9] =	ssyncadd.s32 $0xFFFFF000  }
0x16: {  	v2 =	vld [tilespmem:s16+$0x0];
	_ =	sdelay $0x4  }
0x17: {  	v2 =	vsub.f32 $0.0e+00, v2;
	_ =	sdelay $0x1  }
0x18: {  	v2 =	vmul.f32 $1.442695020e+00, v2  }
0x19: {  	s17 =	simm.s32 $0x10  }
0x1a: {  	(erf) = vpow2.f32 v2;
	v2 =	vld [tilespmem:s17+$0x0]  }
0x1b: {  	s15 =	simm.s32 $0x20  }
0x1c: {  	v3 =	vld [tilespmem:s15+$0x0];
	_ =	sdelay $0x2  }
0x1d: {  	v2 =	vsub.f32 $0.0e+00, v2;
	_ =	sdelay $0x1  }
0x1e: {  	v3 =	vsub.f32 $0.0e+00, v3;
	v2 =	vmul.f32 $1.442695020e+00, v2;
	_ =	sdelay $0x1  }
0x1f: {  	v3 =	vmul.f32 $1.442695020e+00, v3;
	(erf) = vpow2.f32 v2  }
0x20: {  	s14 =	simm.s32 $0x30;
	v4 =	vpop (erf)  }
0x21: {  	v2 =	vadd.f32 $1.000000000e+00, v4;
	(erf) = vpow2.f32 v3;
	v3 =	vld [tilespmem:s14+$0x0];
	_ =	sdelay $0x1  }
0x22: {  	s13 =	simm.s32 $0x40;
	(erf) = vrcp.f32 v2  }
0x23: {  	v2 =	vld [tilespmem:s13+$0x0];
	_ =	sdelay $0x1  }
0x24: {  	v3 =	vsub.f32 $0.0e+00, v3;
	_ =	sdelay $0x1  }
0x25: {  	v4 =	vld [tilespmem:s16+$0x1000];
	v3 =	vmul.f32 $1.442695020e+00, v3;
	v5 =	vpop (erf)  }
0x26: {  	v2 =	vsub.f32 $0.0e+00, v2;
	v5 =	vadd.f32 $1.000000000e+00, v5  }
0x27: {  	(erf) = vpow2.f32 v3  }
0x28: {  	v6 =	vpop (erf);
	v2 =	vmul.f32 $1.442695020e+00, v2;
	(erf) = vrcp.f32 v5  }
0x29: {  	s18 =	simm.s32 $0x50;
	v3 =	vpop (erf);
	v5 =	vadd.f32 $1.000000000e+00, v6  }
0x2a: {  	v4 =	vsub.f32 v3, v4;
	v3 =	vld [tilespmem:s18+$0x0];
	(erf) = vpow2.f32 v2  }
0x2b: {  	(erf) = vrcp.f32 v5;
	_ =	sdelay $0x1  }
0x2c: {  	s19 =	simm.s32 $0x180;
	v2 =	vld [tilespmem:s17+$0x1000];
	v4 =	vand.u32 $0x7FFFFFFF, v4  }
.LBB2_2:
0x2d: {  	s20 =	sshra.s32 s19, $0x2  }
0x2e: {  	v5 =	vsub.f32 $0.0e+00, v3;
	[tilespmem:s16+$0x2000] =	vst v4;
	s16 =	smov.u32 s17;
	s17 =	smov.u32 s15;
	p0 =	sne.s32 s19, $0x3FC0  }
.Ltmp0:
0x2f: {  	s19 =	sadd.s32 $0x40, s19;
	v3 =	vld [tilespmem:s20+$0x0];
	v4 =	vpop (erf);
	(pc) =	sbr.rel @p0 .LBB2_2-.Ltmp0, $4  }
0x30: {  	s15 =	smov.u32 s14;
	s14 =	smov.u32 s13;
	s13 =	smov.u32 s18;
	v5 =	vmul.f32 $1.442695020e+00, v5;
	v6 =	vpop (erf)  }
0x31: {  	s18 =	smov.u32 s20;
	v4 =	vadd.f32 $1.000000000e+00, v4;
	v6 =	vsub.f32 v6, v2  }
0x32: {  	(erf) = vpow2.f32 v5;
	v2 =	vld [tilespmem:s17+$0x1000]  }
0x33: {  	(erf) = vrcp.f32 v4;
	v4 =	vand.u32 $0x7FFFFFFF, v6  }
0x34: {  	v3 =	vsub.f32 $0.0e+00, v3;
	_ =	sdelay $0x1  }
0x35: {  	v3 =	vmul.f32 $1.442695020e+00, v3;
	_ =	sdelay $0x1  }
0x36: {  	v5 =	vpop (erf);
	(erf) = vpow2.f32 v3  }
0x37: {  	v3 =	vadd.f32 $1.000000000e+00, v5;
	v5 =	vpop (erf)  }
0x38: {  	v2 =	vsub.f32 v5, v2  }
0x39: {  	(erf) = vrcp.f32 v3  }
0x3a: {  	v2 =	vand.u32 $0x7FFFFFFF, v2;
	_ =	sdelay $0x1  }
0x3b: {  	[tilespmem:s16+$0x2000] =	vst v4  }
0x3c: {  	v3 =	vld [tilespmem:s15+$0x1000];
	[tilespmem:s17+$0x2000] =	vst v2;
	v2 =	vpop (erf)  }
0x3d: {  	v5 =	vld [tilespmem:s14+$0x1000];
	v4 =	vpop (erf);
	v2 =	vadd.f32 $1.000000000e+00, v2  }
0x3e: {  	v6 =	vpop (erf)  }
0x3f: {  	v6 =	vadd.f32 $1.000000000e+00, v6  }
0x40: {  	(erf) = vrcp.f32 v2  }
0x41: {  	v3 =	vsub.f32 v4, v3;
	v2 =	vpop (erf);
	(erf) = vrcp.f32 v6  }
0x42: {  	v2 =	vsub.f32 v2, v5  }
0x43: {  	v3 =	vand.u32 $0x7FFFFFFF, v3  }
0x44: {  	[tilespmem:s15+$0x2000] =	vst v3;
	v2 =	vand.u32 $0x7FFFFFFF, v2  }
0x45: {  	v3 =	vld [tilespmem:s13+$0x1000];
	[tilespmem:s14+$0x2000] =	vst v2  }
0x46: {  	v2 =	vld [tilespmem:s18+$0x1000];
	_ =	sdelay $0x2  }
0x47: {  	v4 =	vpop (erf)  }
0x48: {  	v3 =	vsub.f32 v4, v3;
	v4 =	vpop (erf)  }
0x49: {  	v2 =	vsub.f32 v4, v2  }
0x4a: {  	v3 =	vand.u32 $0x7FFFFFFF, v3  }
0x4b: {  	[tilespmem:s13+$0x2000] =	vst v3;
	v2 =	vand.u32 $0x7FFFFFFF, v2  }
0x4c: {  	[tilespmem:s18+$0x2000] =	vst v2  }
0x4d: {  	v2 =	vld [tilespmem:$0x2000];
	_ =	sdelay $0x4  }
0x4e: {  	[tilespmem:$0x3000] =	vst v2  }
0x4f: {  	v4 =	vld [tilespmem:s5+$0x2000]  }
0x50: {  	s31 =	simm.s32 $0x0;
	v2 =	vld [tilespmem:s6+$0x2000]  }
0x51: {  	v5 =	vld [tilespmem:s31+$0x2003]  }
0x52: {  	v3 =	vld [tilespmem:s31+$0x2002]  }
0x53: {  	v6 =	vld [tilespmem:s31+$0x2000]  }
0x54: {  	v8 =	vld [tilespmem:s31+$0x2001];
	_ =	sdelay $0x2  }
0x55: {  	v9 =	vsub.f32 v5, v4  }
0x56: {  	v5 =	vsub.f32 v5, v2;
	v10 =	vsub.f32 v6, v2  }
0x57: {  	v7 =	vimm.f32 $0.0e+00;
	v11 =	vsub.f32 v3, v4;
	v12 =	vsub.f32 v8, v4  }
0x58: {  	v8 =	vsub.f32 v8, v2;
	v13 =	vsub.f32 v6, v4;
	v6 =	vand.u32 $0x7FFFFFFF, v10  }
0x59: {  	v10 =	vand.u32 $0x7FFFFFFF, v9;
	v14 =	vand.u32 $0x7FFFFFFF, v11;
	v11 =	vand.u32 $0x7FFFFFFF, v12  }
0x5a: {  	vm0 =	vle.f32 v6, $1.000000010e-01;
	v6 =	vand.u32 $0x7FFFFFFF, v8;
	v8 =	vand.u32 $0x7FFFFFFF, v13  }
0x5b: {  	v9 =	vsel vm0, $0x3F800000, v1;
	vm0 =	vle.f32 v11, $1.000000010e-01;
	vm1 =	vle.f32 v8, $1.000000010e-01  }
0x5c: {  	s13 =	simm.s32 $0x10;
	v8 =	vimm.f32 $0.0e+00;
	v11 =	vsel vm0, $0x3F800000, v1;
	vm0 =	vle.f32 v14, $1.000000010e-01  }
.LBB2_4:
0x5d: {  	s14 =	sshra.s32 s13, $0x2;
	p0 =	sne.s32 s13, $0x3FF0;
	s13 =	sadd.s32 $0x10, s13;
	v12 =	vsel vm1, $0x3F800000, v1;
	v13 =	vsub.f32 v3, v2;
	vm1 =	vle.f32 v10, $1.000000010e-01  }
0x5e: {  	v5 =	vand.u32 $0x7FFFFFFF, v5;
	v10 =	vld [tilespmem:s14+$0x2003];
	v7 =	vadd.f32 v12, v7  }
0x5f: {  	vm2 =	vle.f32 v5, $1.000000010e-01;
	v3 =	vld [tilespmem:s14+$0x2002];
	v12 =	vand.u32 $0x7FFFFFFF, v13  }
0x60: {  	vm3 =	vle.f32 v6, $1.000000010e-01;
	v5 =	vadd.f32 v9, v8;
	v13 =	vld [tilespmem:s14+$0x2000];
	v7 =	vadd.f32 v11, v7  }
0x61: {  	v8 =	vsel vm3, $0x3F800000, v1;
	v9 =	vsel vm0, $0x3F800000, v1;
	v11 =	vsel vm2, $0x3F800000, v1;
	v6 =	vld [tilespmem:s14+$0x2001]  }
0x62: {  	v8 =	vadd.f32 v8, v5;
	vm0 =	vle.f32 v12, $1.000000010e-01;
	v7 =	vadd.f32 v9, v7  }
0x63: {  	v9 =	vsub.f32 v10, v4;
	v5 =	vsub.f32 v10, v2;
	v10 =	vsel vm0, $0x3F800000, v1  }
0x64: {  	v14 =	vsel vm1, $0x3F800000, v1;
	v12 =	vsub.f32 v3, v4;
	v8 =	vadd.f32 v10, v8  }
0x65: {  	v7 =	vadd.f32 v14, v7;
	v15 =	vsub.f32 v13, v2;
	v10 =	vand.u32 $0x7FFFFFFF, v9  }
.Ltmp1:
0x66: {  	v9 =	vsub.f32 v6, v4;
	v6 =	vsub.f32 v6, v2;
	v12 =	vand.u32 $0x7FFFFFFF, v12;
	(pc) =	sbr.rel @p0 .LBB2_4-.Ltmp1, $4  }
0x67: {  	v13 =	vsub.f32 v13, v4;
	v8 =	vadd.f32 v11, v8;
	v14 =	vand.u32 $0x7FFFFFFF, v15  }
0x68: {  	vm0 =	vle.f32 v14, $1.000000010e-01;
	v11 =	vand.u32 $0x7FFFFFFF, v9;
	v6 =	vand.u32 $0x7FFFFFFF, v6  }
0x69: {  	v13 =	vand.u32 $0x7FFFFFFF, v13;
	v9 =	vsel vm0, $0x3F800000, v1;
	vm0 =	vle.f32 v11, $1.000000010e-01  }
0x6a: {  	vm1 =	vle.f32 v13, $1.000000010e-01;
	v11 =	vsel vm0, $0x3F800000, v1;
	vm0 =	vle.f32 v12, $1.000000010e-01  }
0x6b: {  	v4 =	vsel vm1, $0x3F800000, v1  }
0x6c: {  	v4 =	vadd.f32 v4, v7;
	_ =	sdelay $0x1  }
0x6d: {  	v4 =	vadd.f32 v11, v4  }
0x6e: {  	v43 =	vsel vm0, $0x3F800000, v1;
	v44 =	vld [tilespmem:s5+$0x0]  }
0x6f: {  	vm12 =	vle.f32 v10, $1.000000010e-01;
	v4 =	vadd.f32 v43, v4  }
0x70: {  	v45 =	vsel vm12, $0x3F800000, v1  }
0x71: {  	v4 =	vadd.f32 v45, v4;
	_ =	sdelay $0x1  }
0x72: {  	v46 =	vand.u32 $0x7FFFFFFF, v44;
	v4 =	vmul.f32 v4, v0  }
0x73: {  	v7 =	vsub.f32 $0.0e+00, v46  }
0x74: {  	v4 =	vadd.f32 $9.999999960e-13, v4  }
0x75: {  	v7 =	vmul.f32 $1.442695020e+00, v7  }
0x76: {  	(erf) = vrcp.f32 v4  }
0x77: {  	v2 =	vsub.f32 v3, v2;
	(erf) = vpow2.f32 v7  }
0x78: {  	v3 =	vadd.f32 v9, v8;
	vm13 =	vle.f32 v6, $1.000000010e-01  }
0x79: {  	v47 =	vsel vm13, $0x3F800000, v1;
	v2 =	vand.u32 $0x7FFFFFFF, v2  }
0x7a: {  	v3 =	vadd.f32 v47, v3;
	vm14 =	vle.f32 v2, $1.000000010e-01;
	v2 =	vand.u32 $0x7FFFFFFF, v5  }
0x7b: {  	v49 =	vld [tilespmem:s6+$0x0];
	v48 =	vsel vm14, $0x3F800000, v1;
	vm15 =	vle.f32 v2, $1.000000010e-01  }
0x7c: {  	v2 =	vadd.f32 v48, v3;
	v3 =	vsel vm15, $0x3F800000, v1;
	_ =	sdelay $0x1  }
0x7d: {  	v2 =	vadd.f32 v3, v2  }
0x7e: {  	v3 =	vpop (erf)  }
0x7f: {  	v51 =	vand.u32 $0x7FFFFFFF, v49;
	v2 =	vmul.f32 v2, v0;
	v50 =	vpop (erf)  }
0x80: {  	v6 =	vsub.f32 $0.0e+00, v51;
	v52 =	vadd.f32 $2.000000000e+00, v50  }
0x81: {  	v2 =	vadd.f32 $9.999999960e-13, v2  }
0x82: {  	v6 =	vmul.f32 $1.442695020e+00, v6;
	(erf) = vrcp.f32 v52  }
0x83: {  	(erf) = vrcp.f32 v2  }
0x84: {  	(erf) = vpow2.f32 v6;
	_ =	sdelay $0x6  }
0x85: {  	v2 =	vpop (erf)  }
0x86: {  	v53 =	vpop (erf)  }
0x87: {  	v54 =	vpop (erf)  }
0x88: {  	v55 =	vadd.f32 $2.000000000e+00, v54;
	_ =	sdelay $0x1  }
0x89: {  	(erf) = vrcp.f32 v55;
	_ =	sdelay $0x7  }
0x8a: {  	v2 =	vmul.f32 v2, v50  }
0x8b: {  	v8 =	vpop (erf)  }
0x8c: {  	v4 =	vmul.f32 v2, v2;
	v7 =	vmul.f32 v8, v54;
	_ =	sdelay $0x1  }
0x8d: {  	v56 =	vmul.f32 $7.692307980e-02, v4;
	v57 =	vmul.f32 v7, v7;
	_ =	sdelay $0x1  }
0x8e: {  	v8 =	vadd.f32 $9.090909360e-02, v56;
	v58 =	vmul.f32 $7.692307980e-02, v57;
	_ =	sdelay $0x1  }
0x8f: {  	v8 =	vmul.f32 v8, v4;
	v10 =	vadd.f32 $9.090909360e-02, v58;
	_ =	sdelay $0x1  }
0x90: {  	v8 =	vadd.f32 $1.111111120e-01, v8;
	v10 =	vmul.f32 v10, v57;
	_ =	sdelay $0x1  }
0x91: {  	v8 =	vmul.f32 v8, v4;
	v10 =	vadd.f32 $1.111111120e-01, v10;
	_ =	sdelay $0x1  }
0x92: {  	v8 =	vadd.f32 $1.428571490e-01, v8;
	v10 =	vmul.f32 v10, v57;
	_ =	sdelay $0x1  }
0x93: {  	v8 =	vmul.f32 v8, v4;
	v10 =	vadd.f32 $1.428571490e-01, v10;
	_ =	sdelay $0x1  }
0x94: {  	v8 =	vadd.f32 $2.000000030e-01, v8;
	v10 =	vmul.f32 v10, v57;
	_ =	sdelay $0x1  }
0x95: {  	v12 =	vld [tilespmem:s5+$0x1000];
	v8 =	vmul.f32 v8, v4;
	v10 =	vadd.f32 $2.000000030e-01, v10;
	_ =	sdelay $0x1  }
0x96: {  	v59 =	vld [tilespmem:s6+$0x1000];
	v8 =	vadd.f32 $3.333333430e-01, v8;
	v10 =	vmul.f32 v10, v57;
	_ =	sdelay $0x1  }
0x97: {  	v4 =	vmul.f32 v8, v4;
	v10 =	vadd.f32 $3.333333430e-01, v10  }
0x98: {  	v12 =	vmul.f32 v12, v44  }
0x99: {  	v2 =	vadd.f32 v2, v2;
	v4 =	vadd.f32 $1.000000000e+00, v4;
	v9 =	vmul.f32 v10, v57  }
0x9a: {  	v60 =	vmax.f32 v44, $0.0e+00;
	v61 =	vmul.f32 v59, v49;
	v7 =	vadd.f32 v7, v7  }
0x9b: {  	v2 =	vmul.f32 v4, v2;
	v10 =	vsub.f32 v60, v12;
	v62 =	vadd.f32 $1.000000000e+00, v9  }
0x9c: {  	v5 =	vmax.f32 v49, $0.0e+00;
	v3 =	vmul.f32 $4.096000000e+03, v3  }
0x9d: {  	v4 =	vsub.f32 v5, v61;
	v2 =	vadd.f32 v2, v10;
	v63 =	vmul.f32 v62, v7;
	_ =	sdelay $0x1  }
0x9e: {  	v2 =	vmul.f32 v2, v3;
	v3 =	vmul.f32 $4.096000000e+03, v53;
	v4 =	vadd.f32 v63, v4;
	_ =	sdelay $0x1  }
0x9f: {  	v2 =	vadd.f32 $0.0e+00, v2;
	v3 =	vmul.f32 v4, v3;
	_ =	sdelay $0x1  }
0xa0: {  	s12 =	sadd.s32 $0x1, s12;
	v2 =	vadd.f32 v3, v2  }
0xa1: {  	p0 =	sne.s32 s12, s8  }
.Ltmp2:
0xa2: {  	[tilespmem:$0x3080] =	vst v2;
	(pc) =	sbr.rel @p0 .LBB2_1-.Ltmp2, $4  }
0xa3: {  	[hbm4b:s7+s3] =	stream.linear.scatter [tilespmem:s11], [sflag:$0x1], $0x80, $0x38;
	[tilespmem:$0x3100] =	vst v63  }
0xa4: {  	_ =	swait.ge [sflag:s9], $0x80  }
0xa5: {  	[sflag:s9] =	ssyncset.done $0x0  }
0xa6: {  	[sflag:s9] =	ssyncadd.s32 $0xFFFFFF80  }
0xa7: {  	_ =	sfence.sel $0x180000  }
0xa8: {  	[bflag:$0x0] =	sbarrier.arrive $0xFFFF  }
0xa9: {  	p0 =	sne.s32 s4, $0x0;
	_ =	strace $0x90000047  }
0xaa: {  	s0 =	sadd.s32 @!p0 $0x100000, s0;
	[bflag:$0x2] =	sbarrier.arrive $0xFFFF  }
0xab: {  	[sflag:s0] =	ssyncadd.tile.s32 @!p0 $0x1;
	_ =	shalt  }
.Lfunc_end2:
_tile_overlayer_lowered:
.L_overlay_start_2:
0xac: {  	(tag) =	ssettag $0x2  }
0xad: {  	s0 =	rddreg [dreg:$0x0];
	s2 =	stileid.u32  }
0xae: {  	s1 =	rddreg [dreg:$0x1];
	p0 =	sne.s32 s2, $0x0  }
0xaf: {  	s3 =	rddreg [dreg:$0x2];
	[bflag:$0x3] =	sbarrier.arrive $0xFFFF;
	s2 =	simm.s32 @!p0 $0x1C01  }
0xb0: {  	[timem:s3], [sflag:s2] =	dma.local @!p0 [hbm:s0], s1  }
0xb1: {  	s0 =	simm.s32 @!p0 $0x1  }
0xb2: {  	_ =	swait.ge @!p0 [sflag:s0], s1  }
0xb3: {  	s1 =	ssub.s32 @!p0 $0x0, s1;
	[sflag:s0] =	ssyncset.done @!p0 $0x0  }
0xb4: {  	[sflag:s0] =	ssyncadd.s32 @!p0 s1  }
0xb5: {  	[bflag:$0x3] =	sbarrier.arrive $0xFFFF  }
0xb6: {  	_ =	shalt  }

</sc_bundles>
